<compile_context>
chip_gen: v7x
topology: tpu7x:2x2x1
jax: 0.10.2.dev20260603
libtpu: 0.0.44.dev20260713+nightly
codegen_flags: <defaults>
</compile_context>

<pallas_src>
import jax
import jax.numpy as jnp
from jax import lax
from jax.experimental import pallas as pl
from jax.experimental.pallas import tpu as pltpu
from jax.experimental.pallas import tpu_sc as plsc

N = 10000
E = 320000
D = 128
NPAD = 10240
NC = 2
NS = 16
EDGES_PER_SC = E // NC
EDGES_PER_TILE = EDGES_PER_SC // NS
BATCH = 80
NBATCH = EDGES_PER_TILE // BATCH
ROWS_PER_TILE = NPAD // NS
PRESERVE_C = 0.1

_MESH = dict(core_axis_name="c", subcore_axis_name="s")


def _zero_vec_ref(ref, nwords):
    zeros = jnp.zeros((16,), jnp.float32)

    def body(i, _):
        ref[pl.ds(i * 16, 16)] = zeros
        return 0

    lax.fori_loop(0, nwords // 16, body, 0)


def _zero_mat_ref(ref, nrows, ncols):
    zeros = jnp.zeros((16,), jnp.float32)

    def body(r, _):
        row = ref.at[r]
        for v in range(ncols // 16):
            row[pl.ds(v * 16, 16)] = zeros
        return 0

    lax.fori_loop(0, nrows, body, 0)


def _deg_body(dst_hbm, ew_hbm, deg_out, idx_v, upd_v, stage_v, deg_sp, sem):
    c = lax.axis_index("c")
    s = lax.axis_index("s")
    row0 = s * ROWS_PER_TILE

    _zero_vec_ref(stage_v, ROWS_PER_TILE)
    pltpu.sync_copy(stage_v, deg_sp.at[pl.ds(row0, ROWS_PER_TILE)])

    t0 = c * NS + s
    pltpu.sync_copy(dst_hbm.at[t0], idx_v)
    pltpu.sync_copy(ew_hbm.at[t0], upd_v)
    plsc.subcore_barrier()

    def batch(j, _):
        pltpu.sync_copy(upd_v.at[j], deg_sp.at[idx_v.at[j]], add=True)
        return 0

    lax.fori_loop(0, NBATCH, batch, 0)
    plsc.subcore_barrier()

    pltpu.sync_copy(deg_sp.at[pl.ds(row0, ROWS_PER_TILE)], stage_v)
    pltpu.sync_copy(stage_v, deg_out.at[c, pl.ds(row0, ROWS_PER_TILE)])


@jax.jit
def _deg_call(dst2, ew2):
    k = pl.kernel(
        _deg_body,
        out_type=jax.ShapeDtypeStruct((NC, NPAD), jnp.float32),
        mesh=plsc.VectorSubcoreMesh(**_MESH),
        scratch_types=[
            pltpu.VMEM((NBATCH, BATCH), jnp.int32),
            pltpu.VMEM((NBATCH, BATCH), jnp.float32),
            pltpu.VMEM((ROWS_PER_TILE,), jnp.float32),
            pltpu.VMEM_SHARED((NPAD,), jnp.float32),
            pltpu.SemaphoreType.DMA,
        ],
    )
    return k(dst2, ew2)


_DNUMS = lax.GatherDimensionNumbers(
    offset_dims=(), collapsed_slice_dims=(0,), start_index_map=(0,))


def _agg_body(y_hbm, src_hbm, dst_hbm, ew_hbm, out_hbm,
              sb0, sb1, sb2, db0, db1, db2, eb0, eb1, eb2, g0, g1, g2,
              acc_sp,
              gs0, gs1, gs2, cs0, cs1, cs2, xs0, xs1, xs2,
              is0, is1, is2, es0, es1, es2, xs20, xs21, xs22):
    c = lax.axis_index("c")
    s = lax.axis_index("s")
    row0 = s * ROWS_PER_TILE
    t0 = c * NS + s
    ebase = t0 * EDGES_PER_TILE

    SB, XS = (sb0, sb1, sb2), (xs0, xs1, xs2)
    DB, IS = (db0, db1, db2), (is0, is1, is2)
    EB, ES = (eb0, eb1, eb2), (es0, es1, es2)
    G, GS = (g0, g1, g2), (gs0, gs1, gs2)
    CS = (cs0, cs1, cs2)
    XS2 = (xs20, xs21, xs22)

    _zero_mat_ref(g0, BATCH, D)
    for f in range(ROWS_PER_TILE // BATCH):
        pltpu.make_async_copy(
            g0, acc_sp.at[pl.ds(row0 + f * BATCH, BATCH)], gs0).start()
    for f in range(ROWS_PER_TILE // BATCH):
        pltpu.make_async_copy(
            g0, acc_sp.at[pl.ds(row0 + f * BATCH, BATCH)], gs0).wait()
    plsc.subcore_barrier()

    def edge_slice(hbm, j):
        return hbm.at[pl.ds(ebase + j * BATCH, BATCH)]

    def start_sidx(j, m):
        pltpu.make_async_copy(edge_slice(src_hbm, j), SB[m], XS[m]).start()

    def wait_sidx(j, m):
        pltpu.make_async_copy(edge_slice(src_hbm, j), SB[m], XS[m]).wait()

    def start_didx(j, m):
        pltpu.make_async_copy(edge_slice(dst_hbm, j), DB[m], IS[m]).start()

    def wait_didx(j, m):
        pltpu.make_async_copy(edge_slice(dst_hbm, j), DB[m], IS[m]).wait()

    def start_ew(j, m):
        pltpu.make_async_copy(edge_slice(ew_hbm, j), EB[m], ES[m]).start()

    def wait_ew(j, m):
        pltpu.make_async_copy(edge_slice(ew_hbm, j), EB[m], ES[m]).wait()

    GSPLIT = ((0, 40), (40, 40))
    GSEMS = (GS, XS2)

    def start_gather(m):
        for q, (o, n) in enumerate(GSPLIT):
            pltpu.make_async_copy(y_hbm.at[SB[m].at[pl.ds(o, n)]],
                                  G[m].at[pl.ds(o, n)], GSEMS[q][m]).start()

    def wait_gather(m):
        for q, (o, n) in enumerate(GSPLIT):
            pltpu.make_async_copy(y_hbm.at[SB[m].at[pl.ds(o, n)]],
                                  G[m].at[pl.ds(o, n)], GSEMS[q][m]).wait()

    def start_scatter(m):
        pltpu.make_async_copy(G[m], acc_sp.at[DB[m]], CS[m]).start(add=True)

    def wait_scatter(m):
        pltpu.make_async_copy(G[m], acc_sp.at[DB[m]], CS[m]).wait()

    def scale(j, k):
        wait_ew(j, k)
        gbuf, ebuf = G[k], EB[k]

        def group(g, _):
            ew16 = ebuf[pl.ds(g * 16, 16)]
            for l in range(16):
                bc = lax.gather(ew16, jnp.full((16, 1), l, jnp.int32),
                                _DNUMS, slice_sizes=(1,),
                                mode=lax.GatherScatterMode.PROMISE_IN_BOUNDS)
                gr = gbuf.at[g * 16 + l]
                for v in range(D // 16):
                    gr[pl.ds(v * 16, 16)] = gr[pl.ds(v * 16, 16)] * bc
            return 0

        lax.fori_loop(0, BATCH // 16, group, 0)

    def position(j, k, wait_sc=True, sidx2=True, nxt=True):
        k1, k2 = (k + 1) % 3, (k + 2) % 3
        if nxt:
            if wait_sc:
                wait_scatter(k1)
            wait_sidx(j + 1, k1)
            start_gather(k1)
        wait_gather(k)
        if sidx2:
            start_sidx(j + 2, k2)
        if nxt:
            start_didx(j + 1, k1)
            start_ew(j + 1, k1)
        scale(j, k)
        wait_didx(j, k)
        start_scatter(k)

    start_sidx(0, 0)
    start_sidx(1, 1)
    start_didx(0, 0)
    start_ew(0, 0)
    wait_sidx(0, 0)
    start_gather(0)

    position(0, 0, wait_sc=False)
    position(1, 1, wait_sc=False)

    def triple(t, _):
        j0 = 2 + 3 * t
        position(j0, 2)
        position(j0 + 1, 0)
        position(j0 + 2, 1)
        return 0

    lax.fori_loop(0, (NBATCH - 5) // 3, triple, 0)

    position(NBATCH - 3, 2)
    position(NBATCH - 2, 0, sidx2=False)
    position(NBATCH - 1, 1, sidx2=False, nxt=False)
    wait_scatter(2)
    wait_scatter(0)
    wait_scatter(1)

    plsc.subcore_barrier()

    NF = ROWS_PER_TILE // BATCH
    FB = (g0, g1)

    def fread(f, buf, sem):
        return pltpu.make_async_copy(
            acc_sp.at[pl.ds(row0 + f * BATCH, BATCH)], buf, sem)

    fread(0, g0, gs0).start()
    for f in range(NF):
        buf, sem = FB[f % 2], (gs0, gs1)[f % 2]
        fread(f, buf, sem).wait()
        if f + 1 < NF:
            nbuf, nsem = FB[(f + 1) % 2], (gs0, gs1)[(f + 1) % 2]
            fread(f + 1, nbuf, nsem).start()
        pltpu.sync_copy(buf, out_hbm.at[c, pl.ds(row0 + f * BATCH, BATCH)])


@jax.jit
def _agg_call(y, src, dst, ew):
    k = pl.kernel(
        _agg_body,
        out_type=jax.ShapeDtypeStruct((NC, NPAD, D), jnp.float32),
        mesh=plsc.VectorSubcoreMesh(**_MESH),
        scratch_types=(
            [pltpu.VMEM((BATCH,), jnp.int32) for _ in range(3)]
            + [pltpu.VMEM((BATCH,), jnp.int32) for _ in range(3)]
            + [pltpu.VMEM((BATCH,), jnp.float32) for _ in range(3)]
            + [pltpu.VMEM((BATCH, D), jnp.float32) for _ in range(3)]
            + [pltpu.VMEM_SHARED((NPAD, D), jnp.float32)]
            + [pltpu.SemaphoreType.DMA for _ in range(18)]
        ),
    )
    return k(y, src, dst, ew)


def _dinv_from(deg2):
    deg = deg2[0, :N] + deg2[1, :N] + 1.0
    safe = jnp.where(deg > 0.0, deg, 1.0)
    return jnp.where(deg > 0.0, lax.rsqrt(safe), 0.0)[:, None]


def _tc0_body(x_ref, w_ref, deg_ref, y_ref, dinv_ref):
    dinv = _dinv_from(deg_ref[...])
    xw = jnp.dot(x_ref[...], w_ref[...], preferred_element_type=jnp.float32)
    y_ref[...] = xw * dinv
    dinv_ref[...] = dinv


@jax.jit
def _tc0_call(x, W1, deg2):
    return pl.pallas_call(
        _tc0_body,
        out_shape=(
            jax.ShapeDtypeStruct((N, D), jnp.float32),
            jax.ShapeDtypeStruct((N, 1), jnp.float32),
        ),
    )(x, W1, deg2)


def _mix_body(agg_ref, y_ref, dinv_ref, b_ref, tp_ref, w_ref,
              temp_ref, ynext_ref):
    agg = agg_ref[0, :N, :] + agg_ref[1, :N, :]
    dinv = dinv_ref[...]
    out = dinv * (agg + y_ref[...]) + b_ref[...]
    temp = (1.0 - PRESERVE_C) * out + PRESERVE_C * tp_ref[...]
    temp_ref[...] = temp
    ynext_ref[...] = jnp.dot(temp, w_ref[...],
                             preferred_element_type=jnp.float32) * dinv


@jax.jit
def _mix_call(agg2, y, dinv, b, temp_prev, Wn):
    return pl.pallas_call(
        _mix_body,
        out_shape=(
            jax.ShapeDtypeStruct((N, D), jnp.float32),
            jax.ShapeDtypeStruct((N, D), jnp.float32),
        ),
    )(agg2, y, dinv, b, temp_prev, Wn)


def _fin_body(agg_ref, y_ref, dinv_ref, b_ref, tp_ref, temp_ref):
    agg = agg_ref[0, :N, :] + agg_ref[1, :N, :]
    out = dinv_ref[...] * (agg + y_ref[...]) + b_ref[...]
    temp_ref[...] = (1.0 - PRESERVE_C) * out + PRESERVE_C * tp_ref[...]


@jax.jit
def _fin_call(agg2, y, dinv, b, temp_prev):
    return pl.pallas_call(
        _fin_body,
        out_shape=jax.ShapeDtypeStruct((N, D), jnp.float32),
    )(agg2, y, dinv, b, temp_prev)


def kernel(skill_embed, adj_list, edge_attr, W1, b1, W2, b2, W3, b3):
    src = adj_list[0]
    dst = adj_list[1]
    dst3 = adj_list[1].reshape(NC * NS, NBATCH, BATCH)
    ew3 = edge_attr.reshape(NC * NS, NBATCH, BATCH)

    deg2 = _deg_call(dst3, ew3)
    y1, dinv = _tc0_call(skill_embed, W1, deg2)

    agg1 = _agg_call(y1, src, dst, edge_attr)
    temp1, y2 = _mix_call(agg1, y1, dinv, b1.reshape(1, D), skill_embed, W2)

    agg2 = _agg_call(y2, src, dst, edge_attr)
    temp2, y3 = _mix_call(agg2, y2, dinv, b2.reshape(1, D), temp1, W3)

    agg3 = _agg_call(y3, src, dst, edge_attr)
    return _fin_call(agg3, y3, dinv, b3.reshape(1, D), temp2)

# --- scband reference (transcript-rebuilt; emitter-appended) ---
"""Pipeline reference for scband-gcn-9259949490770 (READ-ONLY COPY).

The authoritative reference and input builder live on the scoring server;
editing this copy changes nothing except your own understanding.
"""

import jax, jax.numpy as jnp
import numpy as np

N = 10000
E = 320000
D = 128
PRESERVE = 0.1


def setup_inputs(seed: int = 0) -> dict:
    key = jax.random.key(seed)
    ks = jax.random.split(key, 10)
    inp = {}
    inp["skill_embed"] = jax.random.normal(ks[0], (N, D), dtype=jnp.float32)
    inp["adj_list"] = jax.random.randint(ks[1], (2, E), 0, N, dtype=jnp.int32)
    inp["edge_attr"] = jax.random.uniform(ks[2], (E,), dtype=jnp.float32)
    scale = 1.0 / np.sqrt(D)
    inp["W1"] = jax.random.normal(ks[3], (D, D), dtype=jnp.float32) * scale
    inp["b1"] = jnp.zeros((D,), dtype=jnp.float32)
    inp["W2"] = jax.random.normal(ks[4], (D, D), dtype=jnp.float32) * scale
    inp["b2"] = jnp.zeros((D,), dtype=jnp.float32)
    inp["W3"] = jax.random.normal(ks[5], (D, D), dtype=jnp.float32) * scale
    inp["b3"] = jnp.zeros((D,), dtype=jnp.float32)
    return inp


def _gcn_conv(x, src, dst, edge_weight, Wm, b):
    # Faithful PyG GCNConv: x @ W, gcn_norm with added self-loops (weight 1),
    # symmetric D^-1/2 A D^-1/2 normalization, scatter-add aggregation at dst, + bias.
    n = x.shape[0]
    loop = jnp.arange(n, dtype=src.dtype)
    s = jnp.concatenate([src, loop])
    d = jnp.concatenate([dst, loop])
    ew = jnp.concatenate([edge_weight, jnp.ones((n,), dtype=edge_weight.dtype)])
    deg = jnp.zeros((n,), dtype=ew.dtype).at[d].add(ew)
    dinv = jnp.where(deg > 0.0, jax.lax.rsqrt(jnp.where(deg > 0.0, deg, 1.0)), 0.0)
    norm = dinv[s] * ew * dinv[d]
    xw = x @ Wm
    msg = jnp.take(xw, s, axis=0) * norm[:, None]
    out = jnp.zeros_like(xw).at[d].add(msg)
    return out + b


def reference(skill_embed, adj_list, edge_attr, W1, b1, W2, b2, W3, b3):
    src = adj_list[0]
    dst = adj_list[1]
    temp = skill_embed
    for Wm, b in ((W1, b1), (W2, b2), (W3, b3)):
        out = _gcn_conv(temp, src, dst, edge_attr, Wm, b)
        temp = (1.0 - PRESERVE) * out + PRESERVE * temp
    return temp

if __name__ == "__main__":
    import jax
    _d = setup_inputs()
    print(jax.jit(kernel)(*tuple(_d.values())))

</pallas_src>

<mosaic_0001>
#map = affine_map<(d0, d1) -> (0, 0, 0)>
#map1 = affine_map<(d0, d1) -> (0, 0)>
module attributes {stable_mosaic.version = 14 : i64} {
  func.func @_deg_body(%arg0: i32, %arg1: i32, %arg2: memref<32x125x80xi32, #tpu.memory_space<hbm>>, %arg3: memref<32x125x80xf32, #tpu.memory_space<hbm>>, %arg4: memref<2x10240xf32, #tpu.memory_space<hbm>>, %arg5: memref<125x80xi32, #tpu.memory_space<vmem>>, %arg6: memref<125x80xf32, #tpu.memory_space<vmem>>, %arg7: memref<640xf32, #tpu.memory_space<vmem>>, %arg8: memref<10240xf32, #tpu.memory_space<vmem_shared>>, %arg9: memref<!tpu.dma_semaphore, #tpu.memory_space<semaphore_mem>>) attributes {dimension_semantics = [#tpu.dimension_semantics<core_parallel>, #tpu.dimension_semantics<subcore_parallel>], iteration_bounds = array<i64: 2, 16>, scalar_prefetch = 0 : i64, scratch_operands = 5 : i64, tpu.core_type = #tpu.core_type<sc_vector_subcore>, window_params = [{transform_indices = #map}, {transform_indices = #map}, {transform_indices = #map1}]} {
    %mul3A = arith.constant 640 : i32
    %mul3A_0 = arith.muli %arg1, %mul3A : i32
    %broadcast_in_dim3A = arith.constant 0.000000e+00 : f32
    %broadcast_in_dim3A_1 = vector.broadcast %broadcast_in_dim3A : f32 to vector<16xf32>
    %scan3A = arith.constant 0 : i32
    %scan3A_2 = arith.constant 0 : i32
    %scan3A_3 = arith.constant 40 : i32
    %scan3A_4 = arith.addi %scan3A_2, %scan3A_3 : i32
    %scan3A_5 = arith.constant 1 : i32
    %scan3A_6 = scf.for %scan3A_18 = %scan3A_2 to %scan3A_4 step %scan3A_5 iter_args(%scan3A_19 = %scan3A) -> (i32)  : i32 {
      %mul3A_20 = arith.constant 16 : i32
      %mul3A_21 = arith.muli %scan3A_18, %mul3A_20 : i32
      %swap3A = arith.index_cast %mul3A_21 : i32 to index
      %swap3A_22 = tpu.vector_load %arg7[%swap3A] {strides = array<i32>} : memref<640xf32, #tpu.memory_space<vmem>>, vector<16xf32>,
      %swap3A_23 = vector.shape_cast %swap3A_22 : vector<16xf32> to vector<16xf32>
      %swap3A_24 = vector.shape_cast %broadcast_in_dim3A_1 : vector<16xf32> to vector<16xf32>
      tpu.vector_store %arg7[%swap3A], %swap3A_24 {strides = array<i32>} : memref<640xf32, #tpu.memory_space<vmem>>, vector<16xf32>,
      %scan3A_25 = arith.constant 0 : i32
      scf.yield %scan3A_25 : i32
    }
    %scan3A_7 = arith.constant 40 : i32
    "tpu.region"() ({
      %run_scoped3A = tpu.sem_alloc : memref<!tpu.dma_semaphore, #tpu.memory_space<semaphore_mem>>
      %dma_start3A = tpu.memref_slice %arg8[%mul3A_0] : memref<10240xf32, #tpu.memory_space<vmem_shared>> -> memref<640xf32, #tpu.memory_space<vmem_shared>>
      %dma_start3A_18 = tpu.memref_slice %arg8[%mul3A_0] : memref<10240xf32, #tpu.memory_space<vmem_shared>> -> memref<640xf32, #tpu.memory_space<vmem_shared>>
      tpu.enqueue_dma source(%arg7 : memref<640xf32, #tpu.memory_space<vmem>>) target(%dma_start3A_18 : memref<640xf32, #tpu.memory_space<vmem_shared>>) target_semaphore(%run_scoped3A : memref<!tpu.dma_semaphore, #tpu.memory_space<semaphore_mem>>)
      %dma_wait3A = tpu.memref_slice %arg8[%mul3A_0] : memref<10240xf32, #tpu.memory_space<vmem_shared>> -> memref<640xf32, #tpu.memory_space<vmem_shared>>
      %dma_wait3A_19 = tpu.memref_slice %arg8[%mul3A_0] : memref<10240xf32, #tpu.memory_space<vmem_shared>> -> memref<640xf32, #tpu.memory_space<vmem_shared>>
      tpu.wait_dma2 semaphore(%run_scoped3A : memref<!tpu.dma_semaphore, #tpu.memory_space<semaphore_mem>>) src(%arg7 : memref<640xf32, #tpu.memory_space<vmem>>) dst(%dma_wait3A_19 : memref<640xf32, #tpu.memory_space<vmem_shared>>)
      tpu.yield
    }) : () -> ()
    %mul3A_8 = arith.constant 16 : i32
    %mul3A_9 = arith.muli %arg0, %mul3A_8 : i32
    %add3A = arith.addi %mul3A_9, %arg1 : i32
    "tpu.region"() ({
      %run_scoped3A = tpu.sem_alloc : memref<!tpu.dma_semaphore, #tpu.memory_space<semaphore_mem>>
      %dma_start3A = arith.constant 0 : i32
      %dma_start3A_18 = arith.constant 0 : i32
      %dma_start3A_19 = tpu.memref_slice %arg2[%add3A, %dma_start3A, %dma_start3A_18] : memref<32x125x80xi32, #tpu.memory_space<hbm>> -> memref<1x125x80xi32, #tpu.memory_space<hbm>>
      %dma_start3A_20 = tpu.memref_squeeze %dma_start3A_19 : memref<1x125x80xi32, #tpu.memory_space<hbm>> -> memref<125x80xi32, #tpu.memory_space<hbm>>
      %dma_start3A_21 = arith.constant 0 : i32
      %dma_start3A_22 = arith.constant 0 : i32
      %dma_start3A_23 = tpu.memref_slice %arg2[%add3A, %dma_start3A_21, %dma_start3A_22] : memref<32x125x80xi32, #tpu.memory_space<hbm>> -> memref<1x125x80xi32, #tpu.memory_space<hbm>>
      %dma_start3A_24 = tpu.memref_squeeze %dma_start3A_23 : memref<1x125x80xi32, #tpu.memory_space<hbm>> -> memref<125x80xi32, #tpu.memory_space<hbm>>
      tpu.enqueue_dma source(%dma_start3A_24 : memref<125x80xi32, #tpu.memory_space<hbm>>) target(%arg5 : memref<125x80xi32, #tpu.memory_space<vmem>>) target_semaphore(%run_scoped3A : memref<!tpu.dma_semaphore, #tpu.memory_space<semaphore_mem>>)
      %dma_wait3A = arith.constant 0 : i32
      %dma_wait3A_25 = arith.constant 0 : i32
      %dma_wait3A_26 = tpu.memref_slice %arg2[%add3A, %dma_wait3A, %dma_wait3A_25] : memref<32x125x80xi32, #tpu.memory_space<hbm>> -> memref<1x125x80xi32, #tpu.memory_space<hbm>>
      %dma_wait3A_27 = tpu.memref_squeeze %dma_wait3A_26 : memref<1x125x80xi32, #tpu.memory_space<hbm>> -> memref<125x80xi32, #tpu.memory_space<hbm>>
      %dma_wait3A_28 = arith.constant 0 : i32
      %dma_wait3A_29 = arith.constant 0 : i32
      %dma_wait3A_30 = tpu.memref_slice %arg2[%add3A, %dma_wait3A_28, %dma_wait3A_29] : memref<32x125x80xi32, #tpu.memory_space<hbm>> -> memref<1x125x80xi32, #tpu.memory_space<hbm>>
      %dma_wait3A_31 = tpu.memref_squeeze %dma_wait3A_30 : memref<1x125x80xi32, #tpu.memory_space<hbm>> -> memref<125x80xi32, #tpu.memory_space<hbm>>
      tpu.wait_dma2 semaphore(%run_scoped3A : memref<!tpu.dma_semaphore, #tpu.memory_space<semaphore_mem>>) src(%dma_wait3A_31 : memref<125x80xi32, #tpu.memory_space<hbm>>) dst(%arg5 : memref<125x80xi32, #tpu.memory_space<vmem>>)
      tpu.yield
    }) : () -> ()
    "tpu.region"() ({
      %run_scoped3A = tpu.sem_alloc : memref<!tpu.dma_semaphore, #tpu.memory_space<semaphore_mem>>
      %dma_start3A = arith.constant 0 : i32
      %dma_start3A_18 = arith.constant 0 : i32
      %dma_start3A_19 = tpu.memref_slice %arg3[%add3A, %dma_start3A, %dma_start3A_18] : memref<32x125x80xf32, #tpu.memory_space<hbm>> -> memref<1x125x80xf32, #tpu.memory_space<hbm>>
      %dma_start3A_20 = tpu.memref_squeeze %dma_start3A_19 : memref<1x125x80xf32, #tpu.memory_space<hbm>> -> memref<125x80xf32, #tpu.memory_space<hbm>>
      %dma_start3A_21 = arith.constant 0 : i32
      %dma_start3A_22 = arith.constant 0 : i32
      %dma_start3A_23 = tpu.memref_slice %arg3[%add3A, %dma_start3A_21, %dma_start3A_22] : memref<32x125x80xf32, #tpu.memory_space<hbm>> -> memref<1x125x80xf32, #tpu.memory_space<hbm>>
      %dma_start3A_24 = tpu.memref_squeeze %dma_start3A_23 : memref<1x125x80xf32, #tpu.memory_space<hbm>> -> memref<125x80xf32, #tpu.memory_space<hbm>>
      tpu.enqueue_dma source(%dma_start3A_24 : memref<125x80xf32, #tpu.memory_space<hbm>>) target(%arg6 : memref<125x80xf32, #tpu.memory_space<vmem>>) target_semaphore(%run_scoped3A : memref<!tpu.dma_semaphore, #tpu.memory_space<semaphore_mem>>)
      %dma_wait3A = arith.constant 0 : i32
      %dma_wait3A_25 = arith.constant 0 : i32
      %dma_wait3A_26 = tpu.memref_slice %arg3[%add3A, %dma_wait3A, %dma_wait3A_25] : memref<32x125x80xf32, #tpu.memory_space<hbm>> -> memref<1x125x80xf32, #tpu.memory_space<hbm>>
      %dma_wait3A_27 = tpu.memref_squeeze %dma_wait3A_26 : memref<1x125x80xf32, #tpu.memory_space<hbm>> -> memref<125x80xf32, #tpu.memory_space<hbm>>
      %dma_wait3A_28 = arith.constant 0 : i32
      %dma_wait3A_29 = arith.constant 0 : i32
      %dma_wait3A_30 = tpu.memref_slice %arg3[%add3A, %dma_wait3A_28, %dma_wait3A_29] : memref<32x125x80xf32, #tpu.memory_space<hbm>> -> memref<1x125x80xf32, #tpu.memory_space<hbm>>
      %dma_wait3A_31 = tpu.memref_squeeze %dma_wait3A_30 : memref<1x125x80xf32, #tpu.memory_space<hbm>> -> memref<125x80xf32, #tpu.memory_space<hbm>>
      tpu.wait_dma2 semaphore(%run_scoped3A : memref<!tpu.dma_semaphore, #tpu.memory_space<semaphore_mem>>) src(%dma_wait3A_31 : memref<125x80xf32, #tpu.memory_space<hbm>>) dst(%arg6 : memref<125x80xf32, #tpu.memory_space<vmem>>)
      tpu.yield
    }) : () -> ()
    %barrier3A = arith.constant 0 : index
    tpu.barrier barrier_id(%barrier3A)
    %scan3A_10 = arith.constant 0 : i32
    %scan3A_11 = arith.constant 0 : i32
    %scan3A_12 = arith.constant 125 : i32
    %scan3A_13 = arith.addi %scan3A_11, %scan3A_12 : i32
    %scan3A_14 = arith.constant 1 : i32
    %scan3A_15 = scf.for %scan3A_18 = %scan3A_11 to %scan3A_13 step %scan3A_14 iter_args(%scan3A_19 = %scan3A_10) -> (i32)  : i32 {
      "tpu.region"() ({
        %run_scoped3A = tpu.sem_alloc : memref<!tpu.dma_semaphore, #tpu.memory_space<semaphore_mem>>
        %dma_start3A = arith.constant 0 : i32
        %dma_start3A_21 = tpu.memref_slice %arg6[%scan3A_18, %dma_start3A] : memref<125x80xf32, #tpu.memory_space<vmem>> -> memref<1x80xf32, #tpu.memory_space<vmem>>
        %dma_start3A_22 = tpu.memref_squeeze %dma_start3A_21 : memref<1x80xf32, #tpu.memory_space<vmem>> -> memref<80xf32, #tpu.memory_space<vmem>>
        %dma_start3A_23 = arith.constant 0 : i32
        %dma_start3A_24 = tpu.memref_slice %arg5[%scan3A_18, %dma_start3A_23] : memref<125x80xi32, #tpu.memory_space<vmem>> -> memref<1x80xi32, #tpu.memory_space<vmem>>
        %dma_start3A_25 = tpu.memref_squeeze %dma_start3A_24 : memref<1x80xi32, #tpu.memory_space<vmem>> -> memref<80xi32, #tpu.memory_space<vmem>>
        %dma_start3A_26 = arith.constant 0 : i32
        %dma_start3A_27 = tpu.memref_slice %arg8[%dma_start3A_26] : memref<10240xf32, #tpu.memory_space<vmem_shared>> -> memref<10240xf32, #tpu.memory_space<vmem_shared>>
        tpu.enqueue_indirect_dma source(%dma_start3A_22 : memref<80xf32, #tpu.memory_space<vmem>>) target(%dma_start3A_27 : memref<10240xf32, #tpu.memory_space<vmem_shared>>) offsets(%dma_start3A_25 : memref<80xi32, #tpu.memory_space<vmem>>) semaphore(%run_scoped3A : memref<!tpu.dma_semaphore, #tpu.memory_space<semaphore_mem>>) {add = true}
        %dma_wait3A = arith.constant 0 : i32
        %dma_wait3A_28 = tpu.memref_slice %arg6[%scan3A_18, %dma_wait3A] : memref<125x80xf32, #tpu.memory_space<vmem>> -> memref<1x80xf32, #tpu.memory_space<vmem>>
        %dma_wait3A_29 = tpu.memref_squeeze %dma_wait3A_28 : memref<1x80xf32, #tpu.memory_space<vmem>> -> memref<80xf32, #tpu.memory_space<vmem>>
        %dma_wait3A_30 = arith.constant 0 : i32
        %dma_wait3A_31 = tpu.memref_slice %arg5[%scan3A_18, %dma_wait3A_30] : memref<125x80xi32, #tpu.memory_space<vmem>> -> memref<1x80xi32, #tpu.memory_space<vmem>>
        %dma_wait3A_32 = tpu.memref_squeeze %dma_wait3A_31 : memref<1x80xi32, #tpu.memory_space<vmem>> -> memref<80xi32, #tpu.memory_space<vmem>>
        %dma_wait3A_33 = arith.constant 0 : i32
        %dma_wait3A_34 = tpu.memref_slice %arg8[%dma_wait3A_33] : memref<10240xf32, #tpu.memory_space<vmem_shared>> -> memref<10240xf32, #tpu.memory_space<vmem_shared>>
        tpu.wait_indirect_dma semaphore(%run_scoped3A : memref<!tpu.dma_semaphore, #tpu.memory_space<semaphore_mem>>) src(%dma_wait3A_29 : memref<80xf32, #tpu.memory_space<vmem>>) dst(%dma_wait3A_34 : memref<10240xf32, #tpu.memory_space<vmem_shared>>)
        tpu.yield
      }) : () -> ()
      %scan3A_20 = arith.constant 0 : i32
      scf.yield %scan3A_20 : i32
    }
    %scan3A_16 = arith.constant 125 : i32
    %barrier3A_17 = arith.constant 0 : index
    tpu.barrier barrier_id(%barrier3A_17)
    "tpu.region"() ({
      %run_scoped3A = tpu.sem_alloc : memref<!tpu.dma_semaphore, #tpu.memory_space<semaphore_mem>>
      %dma_start3A = tpu.memref_slice %arg8[%mul3A_0] : memref<10240xf32, #tpu.memory_space<vmem_shared>> -> memref<640xf32, #tpu.memory_space<vmem_shared>>
      %dma_start3A_18 = tpu.memref_slice %arg8[%mul3A_0] : memref<10240xf32, #tpu.memory_space<vmem_shared>> -> memref<640xf32, #tpu.memory_space<vmem_shared>>
      tpu.enqueue_dma source(%dma_start3A_18 : memref<640xf32, #tpu.memory_space<vmem_shared>>) target(%arg7 : memref<640xf32, #tpu.memory_space<vmem>>) target_semaphore(%run_scoped3A : memref<!tpu.dma_semaphore, #tpu.memory_space<semaphore_mem>>)
      %dma_wait3A = tpu.memref_slice %arg8[%mul3A_0] : memref<10240xf32, #tpu.memory_space<vmem_shared>> -> memref<640xf32, #tpu.memory_space<vmem_shared>>
      %dma_wait3A_19 = tpu.memref_slice %arg8[%mul3A_0] : memref<10240xf32, #tpu.memory_space<vmem_shared>> -> memref<640xf32, #tpu.memory_space<vmem_shared>>
      tpu.wait_dma2 semaphore(%run_scoped3A : memref<!tpu.dma_semaphore, #tpu.memory_space<semaphore_mem>>) src(%dma_wait3A_19 : memref<640xf32, #tpu.memory_space<vmem_shared>>) dst(%arg7 : memref<640xf32, #tpu.memory_space<vmem>>)
      tpu.yield
    }) : () -> ()
    "tpu.region"() ({
      %run_scoped3A = tpu.sem_alloc : memref<!tpu.dma_semaphore, #tpu.memory_space<semaphore_mem>>
      %dma_start3A = tpu.memref_slice %arg4[%arg0, %mul3A_0] : memref<2x10240xf32, #tpu.memory_space<hbm>> -> memref<1x640xf32, #tpu.memory_space<hbm>>
      %dma_start3A_18 = tpu.memref_squeeze %dma_start3A : memref<1x640xf32, #tpu.memory_space<hbm>> -> memref<640xf32, #tpu.memory_space<hbm>>
      %dma_start3A_19 = tpu.memref_slice %arg4[%arg0, %mul3A_0] : memref<2x10240xf32, #tpu.memory_space<hbm>> -> memref<1x640xf32, #tpu.memory_space<hbm>>
      %dma_start3A_20 = tpu.memref_squeeze %dma_start3A_19 : memref<1x640xf32, #tpu.memory_space<hbm>> -> memref<640xf32, #tpu.memory_space<hbm>>
      tpu.enqueue_dma source(%arg7 : memref<640xf32, #tpu.memory_space<vmem>>) target(%dma_start3A_20 : memref<640xf32, #tpu.memory_space<hbm>>) target_semaphore(%run_scoped3A : memref<!tpu.dma_semaphore, #tpu.memory_space<semaphore_mem>>)
      %dma_wait3A = tpu.memref_slice %arg4[%arg0, %mul3A_0] : memref<2x10240xf32, #tpu.memory_space<hbm>> -> memref<1x640xf32, #tpu.memory_space<hbm>>
      %dma_wait3A_21 = tpu.memref_squeeze %dma_wait3A : memref<1x640xf32, #tpu.memory_space<hbm>> -> memref<640xf32, #tpu.memory_space<hbm>>
      %dma_wait3A_22 = tpu.memref_slice %arg4[%arg0, %mul3A_0] : memref<2x10240xf32, #tpu.memory_space<hbm>> -> memref<1x640xf32, #tpu.memory_space<hbm>>
      %dma_wait3A_23 = tpu.memref_squeeze %dma_wait3A_22 : memref<1x640xf32, #tpu.memory_space<hbm>> -> memref<640xf32, #tpu.memory_space<hbm>>
      tpu.wait_dma2 semaphore(%run_scoped3A : memref<!tpu.dma_semaphore, #tpu.memory_space<semaphore_mem>>) src(%arg7 : memref<640xf32, #tpu.memory_space<vmem>>) dst(%dma_wait3A_23 : memref<640xf32, #tpu.memory_space<hbm>>)
      tpu.yield
    }) : () -> ()
    return
  }
}

</mosaic_0001>

<sc_bundles>
// kernel: _deg_call.3.cloned.1.call-start
scs
__scs_entry_jumppad:
0x0: {  	(pc) =	sbr.rel $0x88, $3  }
0x1: {  	(tag) =	ssettag $0x0;
	lr =	simm.s32 $0x1  }
0x2: {  	[smem:$0x3F9F] =	sst lr;
	_ =	strace $0xD0000000  }
0x3: {  	_ = 	snop  }
0x4: {  	_ = 	snop  }
0x5: {  	_ = 	snop  }
0x6: {  	_ = 	snop  }
0x7: {  	_ = 	snop  }
__scs_overlays_trampoline_lowered:
0x8: {  	[smem:$0x3FAE] =	sst s0  }
0x9: {  	[smem:$0x3FAF] =	sst s1  }
0xa: {  	[smem:$0x3FB0] =	sst s2  }
0xb: {  	[smem:$0x3FB1] =	sst s3  }
0xc: {  	[smem:$0x3FB2] =	sst s4  }
0xd: {  	[smem:$0x3FB3] =	sst s5  }
0xe: {  	[smem:$0x3FB4] =	sst s6  }
0xf: {  	[smem:$0x3FB5] =	sst s7  }
0x10: {  	[smem:$0x3FB6] =	sst s8  }
0x11: {  	[smem:$0x3FB7] =	sst s9;
	s0 =	simm.s32 @!p0 $0x0  }
0x12: {  	s1 =	sld [smem:$0x3F9D];
	s0 =	simm.s32 @p0 $0x1  }
0x13: {  	[smem:$0x3FB8] =	sst s0;
	s0 =	simm.s32 @!p1 $0x0  }
0x14: {  	s2 =	sld [smem:$0x3F9C];
	s0 =	simm.s32 @p1 $0x1  }
0x15: {  	[smem:$0x3FB9] =	sst s0;
	s0 =	simm.s32 @!p2 $0x0  }
0x16: {  	s3 =	sld [smem:$0x3FDB];
	s0 =	simm.s32 @p2 $0x1  }
0x17: {  	s4 =	simm.s32 $0x1BF5;
	[smem:$0x3FBB] =	sst s0  }
0x18: {  	s0 =	sld [smem:$0x3F9E];
	_ =	swait.ge [sflag:s4], $0x0  }
0x19: {  	s7 =	sld [smem:$0x3F9F]  }
0x1a: {  	s8 =	sadd.s32 $0xFFFFE003, lr  }
0x1b: {  	s9 =	sadd.s32 $0xFFFFFEF7, lr;
	s5 =	simm.s32 $0xFFFFFFFF;
	p2 =	slt.u32 s8, $0xFFFFF086  }
0x1c: {  	p1 =	slt.u32 s9, $0xF7A;
	s5 =	simm.s32 @!p2 $0x0  }
0x1d: {  	s5 =	simm.s32 @p1 $0x1;
	p0 =	seq.s32 s7, s2  }
0x1e: {  	s7 =	smul.u32 @!p0 $0xF7A, s2;
	p2 =	seq.s32 @!p0 s5, $0x0  }
0x1f: {  	s9 =	smul.u32 $0xF7A, s1;
	s8 =	simm.s32 @!p0 $0x1BF5;
	p2 =	por !p2, p0  }
0x20: {  	[sflag:s8] =	ssyncset.s32 @!p0 $0xFFFFF086;
	s6 =	sadd.s32 @!p0 s3, s7;
	s7 =	simm.s32 @!p0 $0x108  }
0x21: {  	s3 =	sadd.s32 s3, s9;
	s6 =	sadd.s32 @!p0 $0x88, s6;
	s7 =	simm.s32 @p2 $0x1082  }
0x22: {  	[simem:s7], [sflag:s8] =	dma.local @!p0 [hbm:s6], $0xF7A  }
0x23: {  	s9 =	sor.u32 $0xD0000000, s2;
	s6 =	simm.s32 $0x108;
	_ =	swait.ge @!p0 [sflag:s8], $0x0  }
0x24: {  	s3 =	sadd.s32 $0x88, s3;
	s6 =	simm.s32 @!p1 $0x1082;
	[sflag:s4] =	ssyncset.s32 $0xFFFFF086  }
0x25: {  	[simem:s6], [sflag:s4] =	dma.local [hbm:s3], $0xF7A  }
0x26: {  	[smem:$0x3F9F] =	sst s1;
	(tag) =	ssettag s2;
	_ =	strace s9  }
0x27: {  	s1 =	sld [smem:$0x3FAF]  }
0x28: {  	s2 =	sld [smem:$0x3FB0]  }
0x29: {  	s4 =	sld [smem:$0x3FB2]  }
0x2a: {  	p0 =	seq.s32 s5, $0x0;
	s5 =	sld [smem:$0x3FB3]  }
0x2b: {  	s6 =	sld [smem:$0x3FB4]  }
0x2c: {  	s7 =	sld [smem:$0x3FB5]  }
0x2d: {  	s3 =	simm.s32 $0x108;
	s8 =	sld [smem:$0x3FB6]  }
0x2e: {  	s3 =	simm.s32 @!p0 $0x1082;
	s9 =	sld [smem:$0x3FB7]  }
0x2f: {  	lr =	sadd.s32 s0, s3;
	s0 =	sld [smem:$0x3FAE]  }
0x30: {  	s3 =	sld [smem:$0x3FB1]  }
0x31: {  	[smem:$0x3FBA] =	sst s10  }
0x32: {  	s10 =	sld [smem:$0x3FB8];
	_ =	sdelay $0x3  }
0x33: {  	p0 =	seq.s32 s10, $0x1;
	s10 =	sld [smem:$0x3FBA];
	_ =	sdelay $0x3  }
0x34: {  	[smem:$0x3FBA] =	sst s10  }
0x35: {  	s10 =	sld [smem:$0x3FB9];
	_ =	sdelay $0x3  }
0x36: {  	p1 =	seq.s32 s10, $0x1;
	s10 =	sld [smem:$0x3FBA];
	_ =	sdelay $0x3  }
0x37: {  	[smem:$0x3FBA] =	sst s10  }
0x38: {  	s10 =	sld [smem:$0x3FBB]  }
0x39: {  	_ = 	snop;
	(pc) =	sbr.ind lr, $3  }
0x3a: {  	_ = 	snop  }
0x3b: {  	_ = 	snop  }
0x3c: {  	p2 =	seq.s32 s10, $0x1;
	s10 =	sld [smem:$0x3FBA]  }
0x3d: {  	_ =	shalt  }
0x3e: {  	_ =	shalt  }
0x3f: {  	_ =	shalt  }
0x40: {  	_ =	shalt  }
0x41: {  	_ =	shalt  }
0x42: {  	_ =	shalt  }
0x43: {  	_ =	shalt  }
0x44: {  	_ =	shalt  }
0x45: {  	_ =	shalt  }
0x46: {  	_ =	shalt  }
0x47: {  	_ =	shalt  }
0x48: {  	_ =	shalt  }
0x49: {  	_ =	shalt  }
0x4a: {  	_ =	shalt  }
0x4b: {  	_ =	shalt  }
0x4c: {  	_ =	shalt  }
0x4d: {  	_ =	shalt  }
0x4e: {  	_ =	shalt  }
0x4f: {  	_ =	shalt  }
0x50: {  	_ =	shalt  }
0x51: {  	_ =	shalt  }
0x52: {  	_ =	shalt  }
0x53: {  	_ =	shalt  }
0x54: {  	_ =	shalt  }
0x55: {  	_ =	shalt  }
0x56: {  	_ =	shalt  }
0x57: {  	_ =	shalt  }
0x58: {  	_ =	shalt  }
0x59: {  	_ =	shalt  }
0x5a: {  	_ =	shalt  }
0x5b: {  	_ =	shalt  }
0x5c: {  	_ =	shalt  }
0x5d: {  	_ =	shalt  }
0x5e: {  	_ =	shalt  }
0x5f: {  	_ =	shalt  }
0x60: {  	_ =	shalt  }
0x61: {  	_ =	shalt  }
0x62: {  	_ =	shalt  }
0x63: {  	_ =	shalt  }
0x64: {  	_ =	shalt  }
0x65: {  	_ =	shalt  }
0x66: {  	_ =	shalt  }
0x67: {  	_ =	shalt  }
0x68: {  	_ =	shalt  }
0x69: {  	_ =	shalt  }
0x6a: {  	_ =	shalt  }
0x6b: {  	_ =	shalt  }
0x6c: {  	_ =	shalt  }
0x6d: {  	_ =	shalt  }
0x6e: {  	_ =	shalt  }
0x6f: {  	_ =	shalt  }
0x70: {  	_ =	shalt  }
0x71: {  	_ =	shalt  }
0x72: {  	_ =	shalt  }
0x73: {  	_ =	shalt  }
0x74: {  	_ =	shalt  }
0x75: {  	_ =	shalt  }
0x76: {  	_ =	shalt  }
0x77: {  	_ =	shalt  }
0x78: {  	_ =	shalt  }
0x79: {  	_ =	shalt  }
0x7a: {  	_ =	shalt  }
0x7b: {  	_ =	shalt  }
0x7c: {  	_ =	shalt  }
0x7d: {  	_ =	shalt  }
0x7e: {  	_ =	shalt  }
0x7f: {  	_ =	shalt  }
0x80: {  	_ =	shalt  }
0x81: {  	_ =	shalt  }
0x82: {  	_ =	shalt  }
0x83: {  	_ =	shalt  }
0x84: {  	_ =	shalt  }
0x85: {  	_ =	shalt  }
0x86: {  	_ =	shalt  }
0x87: {  	_ =	shalt  }
.Lfunc_end0:
.L_simem_size_0:
called_computation_lowered:
.L_overlay_start_0:
0x88: {  	s2 =	sld [smem:$0x3FD9]  }
0x89: {  	s3 =	sld [smem:$0x3FFE];
	_ =	sdelay $0x1  }
0x8a: {  	s1 =	srdreg.scid  }
0x8b: {  	s0 =	sand.u32 $0x1, s1  }
0x8c: {  	s17 =	sshll.u32 s0, $0xA;
	s2 =	sadd.s32 s3, s2  }
0x8d: {  	s2 =	sadd.s32 s2, s17  }
0x8e: {  	[smem:$0x3FC6] =	sst s2  }
0x8f: {  	_ = 	snop  }
0x90: {  	s2 =	sld [smem:$0x3FD0];
	(tm) =	ssettm $0x1  }
0x91: {  	s18 =	sld [smem:$0x3FFB];
	_ =	sdelay $0x3  }
0x92: {  	_ =	strace s18  }
0x93: {  	s3 =	sld [smem:$0x3FFC];
	_ =	sdelay $0x3  }
0x94: {  	_ =	strace s3  }
0x95: {  	s3 =	sld [smem:$0x3FFD];
	_ =	sdelay $0x3  }
0x96: {  	_ =	strace s3  }
0x97: {  	_ =	strace $0x8FFFFFFF  }
0x98: {  	s19 =	sld [smem:$0x3FDB];
	_ =	sdelay $0x1  }
0x99: {  	s4 =	simm.s32 $_scs_section_size  }
0x9a: {  	s5 =	simm.s32 $_size__tile_overlayer_lowered;
	s6 =	simm.s32 $_tile_overlayer_lowered  }
0x9b: {  	s22 =	simm.s32 $0x1BFF;
	s21 =	sshll.u32 s6, $0x1;
	s3 =	sadd.s32 s4, s19  }
0x9c: {  	s7 =	simm.s32 $0x0;
	s20 =	sshll.u32 s5, $0x1;
	s5 =	sadd.s32 s21, s3  }
0x9d: {  	[timem:s7], [sflag:s22] =	dma.local [hbm:s5], s20  }
0x9e: {  	_ =	swait.ge [sflag:s22], s20  }
0x9f: {  	s4 =	ssub.s32 $0x0, s20;
	[sflag:s22] =	ssyncset.done $0x0  }
0xa0: {  	[sflag:s22] =	ssyncadd.s32 s4;
	_ =	sdelay $0x1  }
0xa1: {  	s23 =	simm.s32 $0x1B8B  }
0xa2: {  	_ =	swait.ge [sflag:s23], $0x1  }
0xa3: {  	[sflag:s23] =	ssyncset.done $0x0  }
0xa4: {  	s25 =	simm.s32 $0x1B8E;
	s24 =	sld [smem:$0x3FFE];
	[sflag:s23] =	ssyncadd.s32 $0xFFFFFFFF  }
0xa5: {  	s26 =	simm.s32 $execute0_lowered;
	[smem:$0x3FD2] =	sst s25  }
0xa6: {  	s5 =	sshll.u32 s26, $0x1;
	_ =	strace $0x80000046;
	[dreg:$0x1] =	wrdreg $0xFFFFFFFF  }
0xa7: {  	s28 =	simm.s32 $_size_execute0_lowered;
	s3 =	sadd.s32 s3, s5;
	[dreg:$0x0] =	wrdreg $0x0  }
0xa8: {  	s5 =	sshll.u32 s28, $0x1;
	[dreg:$0x2] =	wrdreg s3  }
0xa9: {  	[dreg:$0x3] =	wrdreg s5  }
0xaa: {  	[dreg:$0x4] =	wrdreg $0xC0  }
0xab: {  	_ =	task [dreg:s7], $0x5FFFF  }
0xac: {  	[dreg:$0x1] =	wrdreg $0xFFFFFFFF  }
0xad: {  	[dreg:$0x0] =	wrdreg $0x60  }
0xae: {  	[dreg:$0x2] =	wrdreg s24  }
0xaf: {  	[dreg:$0x3] =	wrdreg s2  }
0xb0: {  	[dreg:$0x4] =	wrdreg $0x82800  }
0xb1: {  	[dreg:$0x5] =	wrdreg $0x9  }
0xb2: {  	_ =	task.clear_ibuf [dreg:s7], $0x6FFFF;
	_ =	strace $0x90000046  }
0xb3: {  	s29 =	simm.s32 $0x9;
	_ =	strace $0x80000048  }
0xb4: {  	_ =	swait.ge [sflag:s29], $0x1  }
0xb5: {  	[sflag:s29] =	ssyncadd.s32 $0xFFFFFFFF  }
0xb6: {  	_ =	strace $0x90000048  }
0xb7: {  	_ =	sfence  }
0xb8: {  	s30 =	sld [smem:$0x0];
	_ =	sdelay $0x2  }
0xb9: {  	s31 =	sshll.u32 s1, $0xD;
	s1 =	sshrl.u32 s1, $0x2  }
0xba: {  	s3 =	sand.u32 $0x4000, s31;
	s1 =	sadd.s32 s1, s30  }
0xbb: {  	s0 =	sor.u32 s3, s0;
	s1 =	sshll.u32 s1, $0x11  }
0xbc: {  	s0 =	sor.u32 s1, s0  }
0xbd: {  	s0 =	sadd.s32 $0x8F2B, s0  }
0xbe: {  	[sflag:s0] =	ssyncadd.remote.s32 $0x1  }
0xbf: {  	_ =	sfence.sel $0xFFFF  }
0xc0: {  	[dreg:$0x0] =	wrdreg $0xFFFFFFFF;
	(pc) =	sbr.abs _section_cstart, $3  }
0xc1: {  	[dreg:$0x1] =	wrdreg $0xFFFFFFFF  }
0xc2: {  	_ =	task.clear_ibuf [dreg:s7], $0x2FFFF;
	_ =	strace $0x9FFFFFFF  }
0xc3: {  	(tm) =	ssettm $0x7FFFFFFF  }
tec
execute0_lowered:
.L_overlay_start_1:
0x0: {  	(tag) =	ssettag $0x1  }
0x1: {  	s4 =	rddreg [dreg:$0x0]  }
0x2: {  	s7 =	rddreg [dreg:$0x1]  }
0x3: {  	s2 =	rddreg [dreg:$0x2]  }
0x4: {  	s0 =	rddreg [dreg:$0x3];
	s5 =	srdreg.scid  }
0x5: {  	s3 =	simm.s32 $0x0;
	s1 =	stileid.u32;
	s11 =	simm.s32 $0x4000  }
0x6: {  	s12 =	simm.s32 $0x50;
	s13 =	simm.s32 $0x80;
	s14 =	simm.s32 $0x100  }
0x7: {  	s15 =	simm.s32 $0x0;
	s5 =	sand.u32 $0x1, s5;
	s29 =	smul.u32 $0xA00, s1  }
0x8: {  	[smem:$0x7FF] =	sst s3;
	s8 =	sshll.u32 s1, $0xB;
	s9 =	smul.u32 $0x500, s1  }
0x9: {  	s6 =	sshll.u32 s5, $0xF;
	_ =	strace $0x80000047;
	s30 =	ssub.s32 $0x2, s5  }
0xa: {  	s5 =	sshll.u32 s5, $0x7;
	s6 =	sor.u32 s8, s6;
	s10 =	sshrl.u32 s30, $0x1  }
0xb: {  	s8 =	sshrl.u32 s29, $0x2;
	s31 =	sor.u32 s5, s9;
	s9 =	simm.s32 $0x8000  }
0xc: {  	s6 =	sadd.s32 s6, s4;
	s10 =	ssub.s32 s30, s10;
	s4 =	sadd.s32 s8, s2  }
0xd: {  	s8 =	sshrl.u32 s31, $0x3;
	s5 =	sadd.s32 $0x600, s6;
	s6 =	sadd.s32 $0x10600, s6  }
0xe: {  	v0 =	vimm.f32 $0.0e+00;
	s7 =	sadd.s32 s7, s8;
	s8 =	smax.u32 s10, $0x1;
	s10 =	simm.s32 $0x1  }
.LBB2_1:
0xf: {  	[tilespmem:$0x8000] =	vst v0  }
0x10: {  	[tilespmem:$0x8010] =	vst v0  }
0x11: {  	[tilespmem:$0x8020] =	vst v0  }
0x12: {  	[tilespmem:$0x8030] =	vst v0  }
0x13: {  	[tilespmem:$0x8040] =	vst v0  }
0x14: {  	[tilespmem:$0x8050] =	vst v0  }
0x15: {  	[tilespmem:$0x8060] =	vst v0  }
0x16: {  	[tilespmem:$0x8070] =	vst v0  }
0x17: {  	[tilespmem:$0x8080] =	vst v0  }
0x18: {  	[tilespmem:$0x8090] =	vst v0  }
0x19: {  	[tilespmem:$0x80A0] =	vst v0  }
0x1a: {  	[tilespmem:$0x80B0] =	vst v0  }
0x1b: {  	[tilespmem:$0x80C0] =	vst v0  }
0x1c: {  	[tilespmem:$0x80D0] =	vst v0  }
0x1d: {  	[tilespmem:$0x80E0] =	vst v0  }
0x1e: {  	[tilespmem:$0x80F0] =	vst v0  }
0x1f: {  	[tilespmem:$0x8100] =	vst v0  }
0x20: {  	[tilespmem:$0x8110] =	vst v0  }
0x21: {  	[tilespmem:$0x8120] =	vst v0  }
0x22: {  	[tilespmem:$0x8130] =	vst v0  }
0x23: {  	[tilespmem:$0x8140] =	vst v0  }
0x24: {  	[tilespmem:$0x8150] =	vst v0  }
0x25: {  	[tilespmem:$0x8160] =	vst v0  }
0x26: {  	[tilespmem:$0x8170] =	vst v0  }
0x27: {  	[tilespmem:$0x8180] =	vst v0  }
0x28: {  	[tilespmem:$0x8190] =	vst v0  }
0x29: {  	[tilespmem:$0x81A0] =	vst v0  }
0x2a: {  	[tilespmem:$0x81B0] =	vst v0  }
0x2b: {  	[tilespmem:$0x81C0] =	vst v0  }
0x2c: {  	[tilespmem:$0x81D0] =	vst v0  }
0x2d: {  	[tilespmem:$0x81E0] =	vst v0  }
0x2e: {  	[tilespmem:$0x81F0] =	vst v0  }
0x2f: {  	[tilespmem:$0x8200] =	vst v0  }
0x30: {  	[tilespmem:$0x8210] =	vst v0  }
0x31: {  	[tilespmem:$0x8220] =	vst v0  }
0x32: {  	[tilespmem:$0x8230] =	vst v0  }
0x33: {  	[tilespmem:$0x8240] =	vst v0  }
0x34: {  	[tilespmem:$0x8250] =	vst v0  }
0x35: {  	[tilespmem:$0x8260] =	vst v0  }
0x36: {  	[tilespmem:$0x8270] =	vst v0  }
0x37: {  	[spmem:s4] =	stream.linear.scatter [tilespmem:s9], [sflag:$0x1], $0x280, $0x38;
	[tilespmem:$0x8500] =	vst v63  }
0x38: {  	_ =	swait.ge [sflag:s10], $0x280  }
0x39: {  	[sflag:s10] =	ssyncset.done $0x0  }
0x3a: {  	[sflag:s10] =	ssyncadd.s32 $0xFFFFFD80  }
0x3b: {  	[tilespmem:s3], [sflag:$0x1] =	stream.linear.gather [hbm4b:s5+s3], $0x3E80, $0x38;
	[tilespmem:$0x8500] =	vst v63  }
0x3c: {  	_ =	swait.ge [sflag:s10], $0x3E80  }
0x3d: {  	[sflag:s10] =	ssyncset.done $0x0  }
0x3e: {  	[sflag:s10] =	ssyncadd.s32 $0xFFFFC180  }
0x3f: {  	[tilespmem:s11], [sflag:$0x1] =	stream.linear.gather [hbm4b:s6+s3], $0x3E80, $0x38;
	[tilespmem:$0x8500] =	vst v63  }
0x40: {  	_ =	swait.ge [sflag:s10], $0x3E80  }
0x41: {  	[sflag:s10] =	ssyncset.done $0x0  }
0x42: {  	[sflag:s10] =	ssyncadd.s32 $0xFFFFC180  }
0x43: {  	s16 =	simm.s32 $0x0;
	s17 =	simm.s32 $0x4000;
	[bflag:$0x0] =	sbarrier.arrive $0xFFFF  }
0x44: {  	[spmem:s2] =	stream.indirect.scatter.add.f32 [tilespmem:s17], [sflag:$0x1], $0x1, s16, s12, $0xb8;
	[tilespmem:$0x8500] =	vst v63  }
0x45: {  	s16 =	simm.s32 $0x200;
	_ =	swait.ge [sflag:s10], $0x50  }
.LBB2_2:
0x46: {  	s17 =	sshra.s32 s16, $0x2;
	[sflag:s10] =	ssyncset.done $0x0;
	p0 =	sne.s32 s16, $0xF800  }
.Ltmp0:
0x47: {  	s18 =	sadd.s32 $0x4000, s17;
	[sflag:s10] =	ssyncadd.s32 $0xFFFFFFB0;
	(pc) =	sbr.rel @p0 .LBB2_2-.Ltmp0, $3  }
0x48: {  	[spmem:s2] =	stream.indirect.scatter.add.f32 [tilespmem:s18], [sflag:$0x1], $0x1, s17, s12, $0xb8;
	[tilespmem:$0x8500] =	vst v63  }
0x49: {  	s16 =	sadd.s32 $0x200, s16;
	_ =	sdelay $0x1  }
0x4a: {  	_ =	swait.ge [sflag:s10], $0x50  }
0x4b: {  	[sflag:s10] =	ssyncset.done $0x0  }
0x4c: {  	[sflag:s10] =	ssyncadd.s32 $0xFFFFFFB0  }
0x4d: {  	[bflag:$0x0] =	sbarrier.arrive $0xFFFF  }
0x4e: {  	[tilespmem:s9], [sflag:$0x1] =	stream.linear.gather [spmem:s4], $0x280, $0x38;
	[tilespmem:$0x8500] =	vst v63  }
0x4f: {  	s15 =	sadd.s32 $0x1, s15;
	_ =	swait.ge [sflag:s10], $0x280  }
0x50: {  	p0 =	sne.s32 s15, s8;
	[sflag:s10] =	ssyncset.done $0x0  }
.Ltmp1:
0x51: {  	[sflag:s10] =	ssyncadd.s32 $0xFFFFFD80;
	(pc) =	sbr.rel @p0 .LBB2_1-.Ltmp1, $4  }
0x52: {  	[hbm4b:s7+s13] =	stream.strided.scatter [tilespmem:s9], [sflag:$0x1], $0x280, s14, s13, $0x38;
	[tilespmem:$0x8500] =	vst v63  }
0x53: {  	_ =	swait.ge [sflag:s10], $0x280  }
0x54: {  	[sflag:s10] =	ssyncset.done $0x0  }
0x55: {  	[sflag:s10] =	ssyncadd.s32 $0xFFFFFD80  }
0x56: {  	_ =	sfence.sel $0x180000  }
0x57: {  	[bflag:$0x0] =	sbarrier.arrive $0xFFFF  }
0x58: {  	p0 =	sne.s32 s1, $0x0;
	_ =	strace $0x90000047  }
0x59: {  	s0 =	sadd.s32 @!p0 $0x100000, s0;
	[bflag:$0x2] =	sbarrier.arrive $0xFFFF  }
0x5a: {  	[sflag:s0] =	ssyncadd.tile.s32 @!p0 $0x1;
	_ =	shalt  }
.Lfunc_end2:
_tile_overlayer_lowered:
.L_overlay_start_2:
0x5b: {  	(tag) =	ssettag $0x2  }
0x5c: {  	s0 =	rddreg [dreg:$0x0];
	s2 =	stileid.u32  }
0x5d: {  	s1 =	rddreg [dreg:$0x1];
	p0 =	sne.s32 s2, $0x0  }
0x5e: {  	s3 =	rddreg [dreg:$0x2];
	[bflag:$0x3] =	sbarrier.arrive $0xFFFF;
	s2 =	simm.s32 @!p0 $0x1C01  }
0x5f: {  	[timem:s3], [sflag:s2] =	dma.local @!p0 [hbm:s0], s1  }
0x60: {  	s0 =	simm.s32 @!p0 $0x1  }
0x61: {  	_ =	swait.ge @!p0 [sflag:s0], s1  }
0x62: {  	s1 =	ssub.s32 @!p0 $0x0, s1;
	[sflag:s0] =	ssyncset.done @!p0 $0x0  }
0x63: {  	[sflag:s0] =	ssyncadd.s32 @!p0 s1  }
0x64: {  	[bflag:$0x3] =	sbarrier.arrive $0xFFFF  }
0x65: {  	_ =	shalt  }

</sc_bundles>
